<compile_context>
chip_gen: v7x
topology: tpu7x:2x2x1
jax: 0.10.2.dev20260603
libtpu: 0.0.44.dev20260713+nightly
codegen_flags: <defaults>
</compile_context>

<pallas_src>
import functools

import jax
import jax.numpy as jnp
from jax import lax
from jax.experimental import pallas as pl
from jax.experimental.pallas import tpu as pltpu
from jax.experimental.pallas import tpu_sc as plsc

NC = 2
NS = 16
NW = NC * NS
NBUF = 4
GS = (104, 96)


@functools.lru_cache(maxsize=None)
def _build_lookup(S, T, V, D):
    R = S // NW
    mesh = plsc.VectorSubcoreMesh(
        core_axis_name="c", subcore_axis_name="s",
        num_cores=NC, num_subcores=NS)

    @functools.partial(
        pl.kernel,
        out_type=jax.ShapeDtypeStruct((S, T, D), jnp.float32),
        mesh=mesh,
        scratch_types=[
            pltpu.VMEM((R, T), jnp.int32),
            [pltpu.VMEM((T, D), jnp.float32)] * NBUF,
            [pltpu.SemaphoreType.DMA] * NBUF,
            [pltpu.SemaphoreType.DMA] * NBUF,
        ],
        compiler_params=pltpu.CompilerParams(use_tc_tiling_on_sc=False),
    )
    def lookup(idx_hbm, table_hbm, out_hbm, idx_v, bufs, gsems, wsems):
        wid = lax.axis_index("s") * NC + lax.axis_index("c")
        base = wid * R
        pltpu.sync_copy(idx_hbm.at[pl.ds(base, R)], idx_v)

        @pl.loop(0, R, step=NBUF)
        def _block(t):
            gh = []
            for b in range(NBUF):
                off = 0
                for g in GS:
                    gh.append(pltpu.async_copy(
                        table_hbm.at[idx_v.at[t + b, pl.ds(off, g)]],
                        bufs[b].at[pl.ds(off, g)], gsems[b]))
                    off += g
            wh = []
            for b in range(NBUF):
                for j in range(len(GS)):
                    gh[b * len(GS) + j].wait()
                wh.append(pltpu.async_copy(
                    bufs[b], out_hbm.at[base + t + b], wsems[b]))
            for h in wh:
                h.wait()

    return lookup


@functools.lru_cache(maxsize=None)
def _build_transpose(S, T, D):
    NST = S // LN
    J = T * D
    NJ = 1
    JB = J // NJ
    TB = T // NJ

    @functools.partial(
        pl.pallas_call,
        grid=(NST, NJ),
        in_specs=[pl.BlockSpec((1, LN, JB), lambda i, j: (i, 0, j))],
        out_specs=pl.BlockSpec((TB, D // 8, 1, 8, LN),
                               lambda i, j: (j, 0, i, 0, 0)),
        out_shape=jax.ShapeDtypeStruct((T, D // 8, NST, 8, LN), jnp.float32),
    )
    def tx(x_ref, o_ref):
        x = x_ref[0]
        o_ref[:, :, 0, :, :] = x.T.reshape(TB, D // 8, 8, LN)

    return tx


LN = 128


def kernel(concept, table):
    S, T = concept.shape
    V, D = table.shape
    rows = _build_lookup(S, T, V, D)(concept.astype(jnp.int32), table)
    x3 = rows.reshape(S // LN, LN, T * D)
    out5 = _build_transpose(S, T, D)(x3)
    return (out5.transpose(2, 4, 0, 1, 3).reshape(S, T, D))

# --- scband reference (transcript-rebuilt; emitter-appended) ---
"""Pipeline reference for scband-mock-corebehrt-for-fine-tuning-1915555414306 (READ-ONLY COPY).

The authoritative reference and input builder live on the scoring server;
editing this copy changes nothing except your own understanding.
"""

import jax, jax.numpy as jnp
import numpy as np

VOCAB_SIZE = 100000
HIDDEN_SIZE = 64
PAD_TOKEN_ID = 0

def setup_inputs(seed: int = 0) -> dict:
    key = jax.random.key(seed)
    k1, k2 = jax.random.split(key)
    concept = jax.random.randint(k1, (4096, 200), 0, VOCAB_SIZE, dtype=jnp.int64)
    table = jax.random.normal(k2, (VOCAB_SIZE, HIDDEN_SIZE), dtype=jnp.float32)
    # nn.Embedding with padding_idx zero-initializes the padding row
    table = table.at[PAD_TOKEN_ID].set(0.0)
    return {"concept": concept, "table": table}

def reference(concept, table):
    # Embedding lookup; padding row of table is zero so pad tokens map to zeros.
    sequence_output = jnp.take(table, concept, axis=0)
    return sequence_output

if __name__ == "__main__":
    import jax
    _d = setup_inputs()
    print(jax.jit(kernel)(*tuple(_d.values())))

</pallas_src>

<mosaic_0001>
#map = affine_map<(d0, d1) -> (0, 0)>
#map1 = affine_map<(d0, d1) -> (0, 0, 0)>
module attributes {stable_mosaic.version = 14 : i64} {
  func.func @lookup(%arg0: i32, %arg1: i32, %arg2: memref<4096x200xi32, #tpu.memory_space<hbm>>, %arg3: memref<100000x64xf32, #tpu.memory_space<hbm>>, %arg4: memref<4096x200x64xf32, #tpu.memory_space<hbm>>, %arg5: memref<128x200xi32, #tpu.memory_space<vmem>>, %arg6: memref<200x64xf32, #tpu.memory_space<vmem>>, %arg7: memref<200x64xf32, #tpu.memory_space<vmem>>, %arg8: memref<200x64xf32, #tpu.memory_space<vmem>>, %arg9: memref<200x64xf32, #tpu.memory_space<vmem>>, %arg10: memref<!tpu.dma_semaphore, #tpu.memory_space<semaphore_mem>>, %arg11: memref<!tpu.dma_semaphore, #tpu.memory_space<semaphore_mem>>, %arg12: memref<!tpu.dma_semaphore, #tpu.memory_space<semaphore_mem>>, %arg13: memref<!tpu.dma_semaphore, #tpu.memory_space<semaphore_mem>>, %arg14: memref<!tpu.dma_semaphore, #tpu.memory_space<semaphore_mem>>, %arg15: memref<!tpu.dma_semaphore, #tpu.memory_space<semaphore_mem>>, %arg16: memref<!tpu.dma_semaphore, #tpu.memory_space<semaphore_mem>>, %arg17: memref<!tpu.dma_semaphore, #tpu.memory_space<semaphore_mem>>) attributes {dimension_semantics = [#tpu.dimension_semantics<core_parallel>, #tpu.dimension_semantics<subcore_parallel>], iteration_bounds = array<i64: 2, 16>, scalar_prefetch = 0 : i64, scratch_operands = 13 : i64, tpu.core_type = #tpu.core_type<sc_vector_subcore>, window_params = [{transform_indices = #map}, {transform_indices = #map}, {transform_indices = #map1}]} {
    %mul3A = arith.constant 2 : i32
    %mul3A_0 = arith.muli %arg1, %mul3A : i32
    %add3A = arith.addi %mul3A_0, %arg0 : i32
    %mul3A_1 = arith.constant 128 : i32
    %mul3A_2 = arith.muli %add3A, %mul3A_1 : i32
    "tpu.region"() ({
      %run_scoped3A = tpu.sem_alloc : memref<!tpu.dma_semaphore, #tpu.memory_space<semaphore_mem>>
      %dma_start3A = arith.constant 0 : i32
      %dma_start3A_7 = tpu.memref_slice %arg2[%mul3A_2, %dma_start3A] : memref<4096x200xi32, #tpu.memory_space<hbm>> -> memref<128x200xi32, #tpu.memory_space<hbm>>
      %dma_start3A_8 = arith.constant 0 : i32
      %dma_start3A_9 = tpu.memref_slice %arg2[%mul3A_2, %dma_start3A_8] : memref<4096x200xi32, #tpu.memory_space<hbm>> -> memref<128x200xi32, #tpu.memory_space<hbm>>
      tpu.enqueue_dma source(%dma_start3A_9 : memref<128x200xi32, #tpu.memory_space<hbm>>) target(%arg5 : memref<128x200xi32, #tpu.memory_space<vmem>>) target_semaphore(%run_scoped3A : memref<!tpu.dma_semaphore, #tpu.memory_space<semaphore_mem>>)
      %dma_wait3A = arith.constant 0 : i32
      %dma_wait3A_10 = tpu.memref_slice %arg2[%mul3A_2, %dma_wait3A] : memref<4096x200xi32, #tpu.memory_space<hbm>> -> memref<128x200xi32, #tpu.memory_space<hbm>>
      %dma_wait3A_11 = arith.constant 0 : i32
      %dma_wait3A_12 = tpu.memref_slice %arg2[%mul3A_2, %dma_wait3A_11] : memref<4096x200xi32, #tpu.memory_space<hbm>> -> memref<128x200xi32, #tpu.memory_space<hbm>>
      tpu.wait_dma2 semaphore(%run_scoped3A : memref<!tpu.dma_semaphore, #tpu.memory_space<semaphore_mem>>) src(%dma_wait3A_12 : memref<128x200xi32, #tpu.memory_space<hbm>>) dst(%arg5 : memref<128x200xi32, #tpu.memory_space<vmem>>)
      tpu.yield
    }) : () -> ()
    %scan3A = arith.constant 0 : i32
    %scan3A_3 = arith.constant 32 : i32
    %scan3A_4 = arith.addi %scan3A, %scan3A_3 : i32
    %scan3A_5 = arith.constant 1 : i32
    scf.for %scan3A_7 = %scan3A to %scan3A_4 step %scan3A_5  : i32 {
      %mul3A_8 = arith.constant 4 : i32
      %mul3A_9 = arith.muli %scan3A_7, %mul3A_8 : i32
      %add3A_10 = arith.constant 0 : i32
      %add3A_11 = arith.addi %add3A_10, %mul3A_9 : i32
      %add3A_12 = arith.constant 0 : i32
      %add3A_13 = arith.addi %add3A_11, %add3A_12 : i32
      %dma_start3A = arith.constant 0 : i32
      %dma_start3A_14 = arith.constant 0 : i32
      %dma_start3A_15 = tpu.memref_slice %arg6[%dma_start3A, %dma_start3A_14] : memref<200x64xf32, #tpu.memory_space<vmem>> -> memref<104x64xf32, #tpu.memory_space<vmem>>
      %dma_start3A_16 = arith.constant 0 : i32
      %dma_start3A_17 = tpu.memref_slice %arg5[%add3A_13, %dma_start3A_16] : memref<128x200xi32, #tpu.memory_space<vmem>> -> memref<1x104xi32, #tpu.memory_space<vmem>>
      %dma_start3A_18 = tpu.memref_squeeze %dma_start3A_17 : memref<1x104xi32, #tpu.memory_space<vmem>> -> memref<104xi32, #tpu.memory_space<vmem>>
      %dma_start3A_19 = arith.constant 0 : i32
      %dma_start3A_20 = arith.constant 0 : i32
      %dma_start3A_21 = tpu.memref_slice %arg3[%dma_start3A_19, %dma_start3A_20] : memref<100000x64xf32, #tpu.memory_space<hbm>> -> memref<100000x64xf32, #tpu.memory_space<hbm>>
      tpu.enqueue_indirect_dma source(%dma_start3A_21 : memref<100000x64xf32, #tpu.memory_space<hbm>>) target(%dma_start3A_15 : memref<104x64xf32, #tpu.memory_space<vmem>>) offsets(%dma_start3A_18 : memref<104xi32, #tpu.memory_space<vmem>>) semaphore(%arg10 : memref<!tpu.dma_semaphore, #tpu.memory_space<semaphore_mem>>)
      %add3A_22 = arith.constant 0 : i32
      %add3A_23 = arith.addi %add3A_11, %add3A_22 : i32
      %dma_start3A_24 = arith.constant 104 : i32
      %dma_start3A_25 = arith.constant 0 : i32
      %dma_start3A_26 = tpu.memref_slice %arg6[%dma_start3A_24, %dma_start3A_25] : memref<200x64xf32, #tpu.memory_space<vmem>> -> memref<96x64xf32, #tpu.memory_space<vmem>>
      %dma_start3A_27 = arith.constant 104 : i32
      %dma_start3A_28 = tpu.memref_slice %arg5[%add3A_23, %dma_start3A_27] : memref<128x200xi32, #tpu.memory_space<vmem>> -> memref<1x96xi32, #tpu.memory_space<vmem>>
      %dma_start3A_29 = tpu.memref_squeeze %dma_start3A_28 : memref<1x96xi32, #tpu.memory_space<vmem>> -> memref<96xi32, #tpu.memory_space<vmem>>
      %dma_start3A_30 = arith.constant 0 : i32
      %dma_start3A_31 = arith.constant 0 : i32
      %dma_start3A_32 = tpu.memref_slice %arg3[%dma_start3A_30, %dma_start3A_31] : memref<100000x64xf32, #tpu.memory_space<hbm>> -> memref<100000x64xf32, #tpu.memory_space<hbm>>
      tpu.enqueue_indirect_dma source(%dma_start3A_32 : memref<100000x64xf32, #tpu.memory_space<hbm>>) target(%dma_start3A_26 : memref<96x64xf32, #tpu.memory_space<vmem>>) offsets(%dma_start3A_29 : memref<96xi32, #tpu.memory_space<vmem>>) semaphore(%arg10 : memref<!tpu.dma_semaphore, #tpu.memory_space<semaphore_mem>>)
      %add3A_33 = arith.constant 1 : i32
      %add3A_34 = arith.addi %add3A_11, %add3A_33 : i32
      %dma_start3A_35 = arith.constant 0 : i32
      %dma_start3A_36 = arith.constant 0 : i32
      %dma_start3A_37 = tpu.memref_slice %arg7[%dma_start3A_35, %dma_start3A_36] : memref<200x64xf32, #tpu.memory_space<vmem>> -> memref<104x64xf32, #tpu.memory_space<vmem>>
      %dma_start3A_38 = arith.constant 0 : i32
      %dma_start3A_39 = tpu.memref_slice %arg5[%add3A_34, %dma_start3A_38] : memref<128x200xi32, #tpu.memory_space<vmem>> -> memref<1x104xi32, #tpu.memory_space<vmem>>
      %dma_start3A_40 = tpu.memref_squeeze %dma_start3A_39 : memref<1x104xi32, #tpu.memory_space<vmem>> -> memref<104xi32, #tpu.memory_space<vmem>>
      %dma_start3A_41 = arith.constant 0 : i32
      %dma_start3A_42 = arith.constant 0 : i32
      %dma_start3A_43 = tpu.memref_slice %arg3[%dma_start3A_41, %dma_start3A_42] : memref<100000x64xf32, #tpu.memory_space<hbm>> -> memref<100000x64xf32, #tpu.memory_space<hbm>>
      tpu.enqueue_indirect_dma source(%dma_start3A_43 : memref<100000x64xf32, #tpu.memory_space<hbm>>) target(%dma_start3A_37 : memref<104x64xf32, #tpu.memory_space<vmem>>) offsets(%dma_start3A_40 : memref<104xi32, #tpu.memory_space<vmem>>) semaphore(%arg11 : memref<!tpu.dma_semaphore, #tpu.memory_space<semaphore_mem>>)
      %add3A_44 = arith.constant 1 : i32
      %add3A_45 = arith.addi %add3A_11, %add3A_44 : i32
      %dma_start3A_46 = arith.constant 104 : i32
      %dma_start3A_47 = arith.constant 0 : i32
      %dma_start3A_48 = tpu.memref_slice %arg7[%dma_start3A_46, %dma_start3A_47] : memref<200x64xf32, #tpu.memory_space<vmem>> -> memref<96x64xf32, #tpu.memory_space<vmem>>
      %dma_start3A_49 = arith.constant 104 : i32
      %dma_start3A_50 = tpu.memref_slice %arg5[%add3A_45, %dma_start3A_49] : memref<128x200xi32, #tpu.memory_space<vmem>> -> memref<1x96xi32, #tpu.memory_space<vmem>>
      %dma_start3A_51 = tpu.memref_squeeze %dma_start3A_50 : memref<1x96xi32, #tpu.memory_space<vmem>> -> memref<96xi32, #tpu.memory_space<vmem>>
      %dma_start3A_52 = arith.constant 0 : i32
      %dma_start3A_53 = arith.constant 0 : i32
      %dma_start3A_54 = tpu.memref_slice %arg3[%dma_start3A_52, %dma_start3A_53] : memref<100000x64xf32, #tpu.memory_space<hbm>> -> memref<100000x64xf32, #tpu.memory_space<hbm>>
      tpu.enqueue_indirect_dma source(%dma_start3A_54 : memref<100000x64xf32, #tpu.memory_space<hbm>>) target(%dma_start3A_48 : memref<96x64xf32, #tpu.memory_space<vmem>>) offsets(%dma_start3A_51 : memref<96xi32, #tpu.memory_space<vmem>>) semaphore(%arg11 : memref<!tpu.dma_semaphore, #tpu.memory_space<semaphore_mem>>)
      %add3A_55 = arith.constant 2 : i32
      %add3A_56 = arith.addi %add3A_11, %add3A_55 : i32
      %dma_start3A_57 = arith.constant 0 : i32
      %dma_start3A_58 = arith.constant 0 : i32
      %dma_start3A_59 = tpu.memref_slice %arg8[%dma_start3A_57, %dma_start3A_58] : memref<200x64xf32, #tpu.memory_space<vmem>> -> memref<104x64xf32, #tpu.memory_space<vmem>>
      %dma_start3A_60 = arith.constant 0 : i32
      %dma_start3A_61 = tpu.memref_slice %arg5[%add3A_56, %dma_start3A_60] : memref<128x200xi32, #tpu.memory_space<vmem>> -> memref<1x104xi32, #tpu.memory_space<vmem>>
      %dma_start3A_62 = tpu.memref_squeeze %dma_start3A_61 : memref<1x104xi32, #tpu.memory_space<vmem>> -> memref<104xi32, #tpu.memory_space<vmem>>
      %dma_start3A_63 = arith.constant 0 : i32
      %dma_start3A_64 = arith.constant 0 : i32
      %dma_start3A_65 = tpu.memref_slice %arg3[%dma_start3A_63, %dma_start3A_64] : memref<100000x64xf32, #tpu.memory_space<hbm>> -> memref<100000x64xf32, #tpu.memory_space<hbm>>
      tpu.enqueue_indirect_dma source(%dma_start3A_65 : memref<100000x64xf32, #tpu.memory_space<hbm>>) target(%dma_start3A_59 : memref<104x64xf32, #tpu.memory_space<vmem>>) offsets(%dma_start3A_62 : memref<104xi32, #tpu.memory_space<vmem>>) semaphore(%arg12 : memref<!tpu.dma_semaphore, #tpu.memory_space<semaphore_mem>>)
      %add3A_66 = arith.constant 2 : i32
      %add3A_67 = arith.addi %add3A_11, %add3A_66 : i32
      %dma_start3A_68 = arith.constant 104 : i32
      %dma_start3A_69 = arith.constant 0 : i32
      %dma_start3A_70 = tpu.memref_slice %arg8[%dma_start3A_68, %dma_start3A_69] : memref<200x64xf32, #tpu.memory_space<vmem>> -> memref<96x64xf32, #tpu.memory_space<vmem>>
      %dma_start3A_71 = arith.constant 104 : i32
      %dma_start3A_72 = tpu.memref_slice %arg5[%add3A_67, %dma_start3A_71] : memref<128x200xi32, #tpu.memory_space<vmem>> -> memref<1x96xi32, #tpu.memory_space<vmem>>
      %dma_start3A_73 = tpu.memref_squeeze %dma_start3A_72 : memref<1x96xi32, #tpu.memory_space<vmem>> -> memref<96xi32, #tpu.memory_space<vmem>>
      %dma_start3A_74 = arith.constant 0 : i32
      %dma_start3A_75 = arith.constant 0 : i32
      %dma_start3A_76 = tpu.memref_slice %arg3[%dma_start3A_74, %dma_start3A_75] : memref<100000x64xf32, #tpu.memory_space<hbm>> -> memref<100000x64xf32, #tpu.memory_space<hbm>>
      tpu.enqueue_indirect_dma source(%dma_start3A_76 : memref<100000x64xf32, #tpu.memory_space<hbm>>) target(%dma_start3A_70 : memref<96x64xf32, #tpu.memory_space<vmem>>) offsets(%dma_start3A_73 : memref<96xi32, #tpu.memory_space<vmem>>) semaphore(%arg12 : memref<!tpu.dma_semaphore, #tpu.memory_space<semaphore_mem>>)
      %add3A_77 = arith.constant 3 : i32
      %add3A_78 = arith.addi %add3A_11, %add3A_77 : i32
      %dma_start3A_79 = arith.constant 0 : i32
      %dma_start3A_80 = arith.constant 0 : i32
      %dma_start3A_81 = tpu.memref_slice %arg9[%dma_start3A_79, %dma_start3A_80] : memref<200x64xf32, #tpu.memory_space<vmem>> -> memref<104x64xf32, #tpu.memory_space<vmem>>
      %dma_start3A_82 = arith.constant 0 : i32
      %dma_start3A_83 = tpu.memref_slice %arg5[%add3A_78, %dma_start3A_82] : memref<128x200xi32, #tpu.memory_space<vmem>> -> memref<1x104xi32, #tpu.memory_space<vmem>>
      %dma_start3A_84 = tpu.memref_squeeze %dma_start3A_83 : memref<1x104xi32, #tpu.memory_space<vmem>> -> memref<104xi32, #tpu.memory_space<vmem>>
      %dma_start3A_85 = arith.constant 0 : i32
      %dma_start3A_86 = arith.constant 0 : i32
      %dma_start3A_87 = tpu.memref_slice %arg3[%dma_start3A_85, %dma_start3A_86] : memref<100000x64xf32, #tpu.memory_space<hbm>> -> memref<100000x64xf32, #tpu.memory_space<hbm>>
      tpu.enqueue_indirect_dma source(%dma_start3A_87 : memref<100000x64xf32, #tpu.memory_space<hbm>>) target(%dma_start3A_81 : memref<104x64xf32, #tpu.memory_space<vmem>>) offsets(%dma_start3A_84 : memref<104xi32, #tpu.memory_space<vmem>>) semaphore(%arg13 : memref<!tpu.dma_semaphore, #tpu.memory_space<semaphore_mem>>)
      %add3A_88 = arith.constant 3 : i32
      %add3A_89 = arith.addi %add3A_11, %add3A_88 : i32
      %dma_start3A_90 = arith.constant 104 : i32
      %dma_start3A_91 = arith.constant 0 : i32
      %dma_start3A_92 = tpu.memref_slice %arg9[%dma_start3A_90, %dma_start3A_91] : memref<200x64xf32, #tpu.memory_space<vmem>> -> memref<96x64xf32, #tpu.memory_space<vmem>>
      %dma_start3A_93 = arith.constant 104 : i32
      %dma_start3A_94 = tpu.memref_slice %arg5[%add3A_89, %dma_start3A_93] : memref<128x200xi32, #tpu.memory_space<vmem>> -> memref<1x96xi32, #tpu.memory_space<vmem>>
      %dma_start3A_95 = tpu.memref_squeeze %dma_start3A_94 : memref<1x96xi32, #tpu.memory_space<vmem>> -> memref<96xi32, #tpu.memory_space<vmem>>
      %dma_start3A_96 = arith.constant 0 : i32
      %dma_start3A_97 = arith.constant 0 : i32
      %dma_start3A_98 = tpu.memref_slice %arg3[%dma_start3A_96, %dma_start3A_97] : memref<100000x64xf32, #tpu.memory_space<hbm>> -> memref<100000x64xf32, #tpu.memory_space<hbm>>
      tpu.enqueue_indirect_dma source(%dma_start3A_98 : memref<100000x64xf32, #tpu.memory_space<hbm>>) target(%dma_start3A_92 : memref<96x64xf32, #tpu.memory_space<vmem>>) offsets(%dma_start3A_95 : memref<96xi32, #tpu.memory_space<vmem>>) semaphore(%arg13 : memref<!tpu.dma_semaphore, #tpu.memory_space<semaphore_mem>>)
      %dma_wait3A = arith.constant 0 : i32
      %dma_wait3A_99 = arith.constant 0 : i32
      %dma_wait3A_100 = tpu.memref_slice %arg6[%dma_wait3A, %dma_wait3A_99] : memref<200x64xf32, #tpu.memory_space<vmem>> -> memref<104x64xf32, #tpu.memory_space<vmem>>
      %dma_wait3A_101 = arith.constant 0 : i32
      %dma_wait3A_102 = tpu.memref_slice %arg5[%add3A_13, %dma_wait3A_101] : memref<128x200xi32, #tpu.memory_space<vmem>> -> memref<1x104xi32, #tpu.memory_space<vmem>>
      %dma_wait3A_103 = tpu.memref_squeeze %dma_wait3A_102 : memref<1x104xi32, #tpu.memory_space<vmem>> -> memref<104xi32, #tpu.memory_space<vmem>>
      %dma_wait3A_104 = arith.constant 0 : i32
      %dma_wait3A_105 = arith.constant 0 : i32
      %dma_wait3A_106 = tpu.memref_slice %arg3[%dma_wait3A_104, %dma_wait3A_105] : memref<100000x64xf32, #tpu.memory_space<hbm>> -> memref<100000x64xf32, #tpu.memory_space<hbm>>
      tpu.wait_indirect_dma semaphore(%arg10 : memref<!tpu.dma_semaphore, #tpu.memory_space<semaphore_mem>>) src(%dma_wait3A_106 : memref<100000x64xf32, #tpu.memory_space<hbm>>) dst(%dma_wait3A_100 : memref<104x64xf32, #tpu.memory_space<vmem>>)
      %dma_wait3A_107 = arith.constant 104 : i32
      %dma_wait3A_108 = arith.constant 0 : i32
      %dma_wait3A_109 = tpu.memref_slice %arg6[%dma_wait3A_107, %dma_wait3A_108] : memref<200x64xf32, #tpu.memory_space<vmem>> -> memref<96x64xf32, #tpu.memory_space<vmem>>
      %dma_wait3A_110 = arith.constant 104 : i32
      %dma_wait3A_111 = tpu.memref_slice %arg5[%add3A_23, %dma_wait3A_110] : memref<128x200xi32, #tpu.memory_space<vmem>> -> memref<1x96xi32, #tpu.memory_space<vmem>>
      %dma_wait3A_112 = tpu.memref_squeeze %dma_wait3A_111 : memref<1x96xi32, #tpu.memory_space<vmem>> -> memref<96xi32, #tpu.memory_space<vmem>>
      %dma_wait3A_113 = arith.constant 0 : i32
      %dma_wait3A_114 = arith.constant 0 : i32
      %dma_wait3A_115 = tpu.memref_slice %arg3[%dma_wait3A_113, %dma_wait3A_114] : memref<100000x64xf32, #tpu.memory_space<hbm>> -> memref<100000x64xf32, #tpu.memory_space<hbm>>
      tpu.wait_indirect_dma semaphore(%arg10 : memref<!tpu.dma_semaphore, #tpu.memory_space<semaphore_mem>>) src(%dma_wait3A_115 : memref<100000x64xf32, #tpu.memory_space<hbm>>) dst(%dma_wait3A_109 : memref<96x64xf32, #tpu.memory_space<vmem>>)
      %add3A_116 = arith.addi %mul3A_2, %add3A_11 : i32
      %add3A_117 = arith.constant 0 : i32
      %add3A_118 = arith.addi %add3A_116, %add3A_117 : i32
      %dma_start3A_119 = arith.constant 0 : i32
      %dma_start3A_120 = arith.constant 0 : i32
      %dma_start3A_121 = tpu.memref_slice %arg4[%add3A_118, %dma_start3A_119, %dma_start3A_120] : memref<4096x200x64xf32, #tpu.memory_space<hbm>> -> memref<1x200x64xf32, #tpu.memory_space<hbm>>
      %dma_start3A_122 = tpu.memref_squeeze %dma_start3A_121 : memref<1x200x64xf32, #tpu.memory_space<hbm>> -> memref<200x64xf32, #tpu.memory_space<hbm>>
      %dma_start3A_123 = arith.constant 0 : i32
      %dma_start3A_124 = arith.constant 0 : i32
      %dma_start3A_125 = tpu.memref_slice %arg4[%add3A_118, %dma_start3A_123, %dma_start3A_124] : memref<4096x200x64xf32, #tpu.memory_space<hbm>> -> memref<1x200x64xf32, #tpu.memory_space<hbm>>
      %dma_start3A_126 = tpu.memref_squeeze %dma_start3A_125 : memref<1x200x64xf32, #tpu.memory_space<hbm>> -> memref<200x64xf32, #tpu.memory_space<hbm>>
      tpu.enqueue_dma source(%arg6 : memref<200x64xf32, #tpu.memory_space<vmem>>) target(%dma_start3A_126 : memref<200x64xf32, #tpu.memory_space<hbm>>) target_semaphore(%arg14 : memref<!tpu.dma_semaphore, #tpu.memory_space<semaphore_mem>>)
      %dma_wait3A_127 = arith.constant 0 : i32
      %dma_wait3A_128 = arith.constant 0 : i32
      %dma_wait3A_129 = tpu.memref_slice %arg7[%dma_wait3A_127, %dma_wait3A_128] : memref<200x64xf32, #tpu.memory_space<vmem>> -> memref<104x64xf32, #tpu.memory_space<vmem>>
      %dma_wait3A_130 = arith.constant 0 : i32
      %dma_wait3A_131 = tpu.memref_slice %arg5[%add3A_34, %dma_wait3A_130] : memref<128x200xi32, #tpu.memory_space<vmem>> -> memref<1x104xi32, #tpu.memory_space<vmem>>
      %dma_wait3A_132 = tpu.memref_squeeze %dma_wait3A_131 : memref<1x104xi32, #tpu.memory_space<vmem>> -> memref<104xi32, #tpu.memory_space<vmem>>
      %dma_wait3A_133 = arith.constant 0 : i32
      %dma_wait3A_134 = arith.constant 0 : i32
      %dma_wait3A_135 = tpu.memref_slice %arg3[%dma_wait3A_133, %dma_wait3A_134] : memref<100000x64xf32, #tpu.memory_space<hbm>> -> memref<100000x64xf32, #tpu.memory_space<hbm>>
      tpu.wait_indirect_dma semaphore(%arg11 : memref<!tpu.dma_semaphore, #tpu.memory_space<semaphore_mem>>) src(%dma_wait3A_135 : memref<100000x64xf32, #tpu.memory_space<hbm>>) dst(%dma_wait3A_129 : memref<104x64xf32, #tpu.memory_space<vmem>>)
      %dma_wait3A_136 = arith.constant 104 : i32
      %dma_wait3A_137 = arith.constant 0 : i32
      %dma_wait3A_138 = tpu.memref_slice %arg7[%dma_wait3A_136, %dma_wait3A_137] : memref<200x64xf32, #tpu.memory_space<vmem>> -> memref<96x64xf32, #tpu.memory_space<vmem>>
      %dma_wait3A_139 = arith.constant 104 : i32
      %dma_wait3A_140 = tpu.memref_slice %arg5[%add3A_45, %dma_wait3A_139] : memref<128x200xi32, #tpu.memory_space<vmem>> -> memref<1x96xi32, #tpu.memory_space<vmem>>
      %dma_wait3A_141 = tpu.memref_squeeze %dma_wait3A_140 : memref<1x96xi32, #tpu.memory_space<vmem>> -> memref<96xi32, #tpu.memory_space<vmem>>
      %dma_wait3A_142 = arith.constant 0 : i32
      %dma_wait3A_143 = arith.constant 0 : i32
      %dma_wait3A_144 = tpu.memref_slice %arg3[%dma_wait3A_142, %dma_wait3A_143] : memref<100000x64xf32, #tpu.memory_space<hbm>> -> memref<100000x64xf32, #tpu.memory_space<hbm>>
      tpu.wait_indirect_dma semaphore(%arg11 : memref<!tpu.dma_semaphore, #tpu.memory_space<semaphore_mem>>) src(%dma_wait3A_144 : memref<100000x64xf32, #tpu.memory_space<hbm>>) dst(%dma_wait3A_138 : memref<96x64xf32, #tpu.memory_space<vmem>>)
      %add3A_145 = arith.addi %mul3A_2, %add3A_11 : i32
      %add3A_146 = arith.constant 1 : i32
      %add3A_147 = arith.addi %add3A_145, %add3A_146 : i32
      %dma_start3A_148 = arith.constant 0 : i32
      %dma_start3A_149 = arith.constant 0 : i32
      %dma_start3A_150 = tpu.memref_slice %arg4[%add3A_147, %dma_start3A_148, %dma_start3A_149] : memref<4096x200x64xf32, #tpu.memory_space<hbm>> -> memref<1x200x64xf32, #tpu.memory_space<hbm>>
      %dma_start3A_151 = tpu.memref_squeeze %dma_start3A_150 : memref<1x200x64xf32, #tpu.memory_space<hbm>> -> memref<200x64xf32, #tpu.memory_space<hbm>>
      %dma_start3A_152 = arith.constant 0 : i32
      %dma_start3A_153 = arith.constant 0 : i32
      %dma_start3A_154 = tpu.memref_slice %arg4[%add3A_147, %dma_start3A_152, %dma_start3A_153] : memref<4096x200x64xf32, #tpu.memory_space<hbm>> -> memref<1x200x64xf32, #tpu.memory_space<hbm>>
      %dma_start3A_155 = tpu.memref_squeeze %dma_start3A_154 : memref<1x200x64xf32, #tpu.memory_space<hbm>> -> memref<200x64xf32, #tpu.memory_space<hbm>>
      tpu.enqueue_dma source(%arg7 : memref<200x64xf32, #tpu.memory_space<vmem>>) target(%dma_start3A_155 : memref<200x64xf32, #tpu.memory_space<hbm>>) target_semaphore(%arg15 : memref<!tpu.dma_semaphore, #tpu.memory_space<semaphore_mem>>)
      %dma_wait3A_156 = arith.constant 0 : i32
      %dma_wait3A_157 = arith.constant 0 : i32
      %dma_wait3A_158 = tpu.memref_slice %arg8[%dma_wait3A_156, %dma_wait3A_157] : memref<200x64xf32, #tpu.memory_space<vmem>> -> memref<104x64xf32, #tpu.memory_space<vmem>>
      %dma_wait3A_159 = arith.constant 0 : i32
      %dma_wait3A_160 = tpu.memref_slice %arg5[%add3A_56, %dma_wait3A_159] : memref<128x200xi32, #tpu.memory_space<vmem>> -> memref<1x104xi32, #tpu.memory_space<vmem>>
      %dma_wait3A_161 = tpu.memref_squeeze %dma_wait3A_160 : memref<1x104xi32, #tpu.memory_space<vmem>> -> memref<104xi32, #tpu.memory_space<vmem>>
      %dma_wait3A_162 = arith.constant 0 : i32
      %dma_wait3A_163 = arith.constant 0 : i32
      %dma_wait3A_164 = tpu.memref_slice %arg3[%dma_wait3A_162, %dma_wait3A_163] : memref<100000x64xf32, #tpu.memory_space<hbm>> -> memref<100000x64xf32, #tpu.memory_space<hbm>>
      tpu.wait_indirect_dma semaphore(%arg12 : memref<!tpu.dma_semaphore, #tpu.memory_space<semaphore_mem>>) src(%dma_wait3A_164 : memref<100000x64xf32, #tpu.memory_space<hbm>>) dst(%dma_wait3A_158 : memref<104x64xf32, #tpu.memory_space<vmem>>)
      %dma_wait3A_165 = arith.constant 104 : i32
      %dma_wait3A_166 = arith.constant 0 : i32
      %dma_wait3A_167 = tpu.memref_slice %arg8[%dma_wait3A_165, %dma_wait3A_166] : memref<200x64xf32, #tpu.memory_space<vmem>> -> memref<96x64xf32, #tpu.memory_space<vmem>>
      %dma_wait3A_168 = arith.constant 104 : i32
      %dma_wait3A_169 = tpu.memref_slice %arg5[%add3A_67, %dma_wait3A_168] : memref<128x200xi32, #tpu.memory_space<vmem>> -> memref<1x96xi32, #tpu.memory_space<vmem>>
      %dma_wait3A_170 = tpu.memref_squeeze %dma_wait3A_169 : memref<1x96xi32, #tpu.memory_space<vmem>> -> memref<96xi32, #tpu.memory_space<vmem>>
      %dma_wait3A_171 = arith.constant 0 : i32
      %dma_wait3A_172 = arith.constant 0 : i32
      %dma_wait3A_173 = tpu.memref_slice %arg3[%dma_wait3A_171, %dma_wait3A_172] : memref<100000x64xf32, #tpu.memory_space<hbm>> -> memref<100000x64xf32, #tpu.memory_space<hbm>>
      tpu.wait_indirect_dma semaphore(%arg12 : memref<!tpu.dma_semaphore, #tpu.memory_space<semaphore_mem>>) src(%dma_wait3A_173 : memref<100000x64xf32, #tpu.memory_space<hbm>>) dst(%dma_wait3A_167 : memref<96x64xf32, #tpu.memory_space<vmem>>)
      %add3A_174 = arith.addi %mul3A_2, %add3A_11 : i32
      %add3A_175 = arith.constant 2 : i32
      %add3A_176 = arith.addi %add3A_174, %add3A_175 : i32
      %dma_start3A_177 = arith.constant 0 : i32
      %dma_start3A_178 = arith.constant 0 : i32
      %dma_start3A_179 = tpu.memref_slice %arg4[%add3A_176, %dma_start3A_177, %dma_start3A_178] : memref<4096x200x64xf32, #tpu.memory_space<hbm>> -> memref<1x200x64xf32, #tpu.memory_space<hbm>>
      %dma_start3A_180 = tpu.memref_squeeze %dma_start3A_179 : memref<1x200x64xf32, #tpu.memory_space<hbm>> -> memref<200x64xf32, #tpu.memory_space<hbm>>
      %dma_start3A_181 = arith.constant 0 : i32
      %dma_start3A_182 = arith.constant 0 : i32
      %dma_start3A_183 = tpu.memref_slice %arg4[%add3A_176, %dma_start3A_181, %dma_start3A_182] : memref<4096x200x64xf32, #tpu.memory_space<hbm>> -> memref<1x200x64xf32, #tpu.memory_space<hbm>>
      %dma_start3A_184 = tpu.memref_squeeze %dma_start3A_183 : memref<1x200x64xf32, #tpu.memory_space<hbm>> -> memref<200x64xf32, #tpu.memory_space<hbm>>
      tpu.enqueue_dma source(%arg8 : memref<200x64xf32, #tpu.memory_space<vmem>>) target(%dma_start3A_184 : memref<200x64xf32, #tpu.memory_space<hbm>>) target_semaphore(%arg16 : memref<!tpu.dma_semaphore, #tpu.memory_space<semaphore_mem>>)
      %dma_wait3A_185 = arith.constant 0 : i32
      %dma_wait3A_186 = arith.constant 0 : i32
      %dma_wait3A_187 = tpu.memref_slice %arg9[%dma_wait3A_185, %dma_wait3A_186] : memref<200x64xf32, #tpu.memory_space<vmem>> -> memref<104x64xf32, #tpu.memory_space<vmem>>
      %dma_wait3A_188 = arith.constant 0 : i32
      %dma_wait3A_189 = tpu.memref_slice %arg5[%add3A_78, %dma_wait3A_188] : memref<128x200xi32, #tpu.memory_space<vmem>> -> memref<1x104xi32, #tpu.memory_space<vmem>>
      %dma_wait3A_190 = tpu.memref_squeeze %dma_wait3A_189 : memref<1x104xi32, #tpu.memory_space<vmem>> -> memref<104xi32, #tpu.memory_space<vmem>>
      %dma_wait3A_191 = arith.constant 0 : i32
      %dma_wait3A_192 = arith.constant 0 : i32
      %dma_wait3A_193 = tpu.memref_slice %arg3[%dma_wait3A_191, %dma_wait3A_192] : memref<100000x64xf32, #tpu.memory_space<hbm>> -> memref<100000x64xf32, #tpu.memory_space<hbm>>
      tpu.wait_indirect_dma semaphore(%arg13 : memref<!tpu.dma_semaphore, #tpu.memory_space<semaphore_mem>>) src(%dma_wait3A_193 : memref<100000x64xf32, #tpu.memory_space<hbm>>) dst(%dma_wait3A_187 : memref<104x64xf32, #tpu.memory_space<vmem>>)
      %dma_wait3A_194 = arith.constant 104 : i32
      %dma_wait3A_195 = arith.constant 0 : i32
      %dma_wait3A_196 = tpu.memref_slice %arg9[%dma_wait3A_194, %dma_wait3A_195] : memref<200x64xf32, #tpu.memory_space<vmem>> -> memref<96x64xf32, #tpu.memory_space<vmem>>
      %dma_wait3A_197 = arith.constant 104 : i32
      %dma_wait3A_198 = tpu.memref_slice %arg5[%add3A_89, %dma_wait3A_197] : memref<128x200xi32, #tpu.memory_space<vmem>> -> memref<1x96xi32, #tpu.memory_space<vmem>>
      %dma_wait3A_199 = tpu.memref_squeeze %dma_wait3A_198 : memref<1x96xi32, #tpu.memory_space<vmem>> -> memref<96xi32, #tpu.memory_space<vmem>>
      %dma_wait3A_200 = arith.constant 0 : i32
      %dma_wait3A_201 = arith.constant 0 : i32
      %dma_wait3A_202 = tpu.memref_slice %arg3[%dma_wait3A_200, %dma_wait3A_201] : memref<100000x64xf32, #tpu.memory_space<hbm>> -> memref<100000x64xf32, #tpu.memory_space<hbm>>
      tpu.wait_indirect_dma semaphore(%arg13 : memref<!tpu.dma_semaphore, #tpu.memory_space<semaphore_mem>>) src(%dma_wait3A_202 : memref<100000x64xf32, #tpu.memory_space<hbm>>) dst(%dma_wait3A_196 : memref<96x64xf32, #tpu.memory_space<vmem>>)
      %add3A_203 = arith.addi %mul3A_2, %add3A_11 : i32
      %add3A_204 = arith.constant 3 : i32
      %add3A_205 = arith.addi %add3A_203, %add3A_204 : i32
      %dma_start3A_206 = arith.constant 0 : i32
      %dma_start3A_207 = arith.constant 0 : i32
      %dma_start3A_208 = tpu.memref_slice %arg4[%add3A_205, %dma_start3A_206, %dma_start3A_207] : memref<4096x200x64xf32, #tpu.memory_space<hbm>> -> memref<1x200x64xf32, #tpu.memory_space<hbm>>
      %dma_start3A_209 = tpu.memref_squeeze %dma_start3A_208 : memref<1x200x64xf32, #tpu.memory_space<hbm>> -> memref<200x64xf32, #tpu.memory_space<hbm>>
      %dma_start3A_210 = arith.constant 0 : i32
      %dma_start3A_211 = arith.constant 0 : i32
      %dma_start3A_212 = tpu.memref_slice %arg4[%add3A_205, %dma_start3A_210, %dma_start3A_211] : memref<4096x200x64xf32, #tpu.memory_space<hbm>> -> memref<1x200x64xf32, #tpu.memory_space<hbm>>
      %dma_start3A_213 = tpu.memref_squeeze %dma_start3A_212 : memref<1x200x64xf32, #tpu.memory_space<hbm>> -> memref<200x64xf32, #tpu.memory_space<hbm>>
      tpu.enqueue_dma source(%arg9 : memref<200x64xf32, #tpu.memory_space<vmem>>) target(%dma_start3A_213 : memref<200x64xf32, #tpu.memory_space<hbm>>) target_semaphore(%arg17 : memref<!tpu.dma_semaphore, #tpu.memory_space<semaphore_mem>>)
      %dma_wait3A_214 = arith.constant 0 : i32
      %dma_wait3A_215 = arith.constant 0 : i32
      %dma_wait3A_216 = tpu.memref_slice %arg4[%add3A_118, %dma_wait3A_214, %dma_wait3A_215] : memref<4096x200x64xf32, #tpu.memory_space<hbm>> -> memref<1x200x64xf32, #tpu.memory_space<hbm>>
      %dma_wait3A_217 = tpu.memref_squeeze %dma_wait3A_216 : memref<1x200x64xf32, #tpu.memory_space<hbm>> -> memref<200x64xf32, #tpu.memory_space<hbm>>
      %dma_wait3A_218 = arith.constant 0 : i32
      %dma_wait3A_219 = arith.constant 0 : i32
      %dma_wait3A_220 = tpu.memref_slice %arg4[%add3A_118, %dma_wait3A_218, %dma_wait3A_219] : memref<4096x200x64xf32, #tpu.memory_space<hbm>> -> memref<1x200x64xf32, #tpu.memory_space<hbm>>
      %dma_wait3A_221 = tpu.memref_squeeze %dma_wait3A_220 : memref<1x200x64xf32, #tpu.memory_space<hbm>> -> memref<200x64xf32, #tpu.memory_space<hbm>>
      tpu.wait_dma2 semaphore(%arg14 : memref<!tpu.dma_semaphore, #tpu.memory_space<semaphore_mem>>) src(%arg6 : memref<200x64xf32, #tpu.memory_space<vmem>>) dst(%dma_wait3A_221 : memref<200x64xf32, #tpu.memory_space<hbm>>)
      %dma_wait3A_222 = arith.constant 0 : i32
      %dma_wait3A_223 = arith.constant 0 : i32
      %dma_wait3A_224 = tpu.memref_slice %arg4[%add3A_147, %dma_wait3A_222, %dma_wait3A_223] : memref<4096x200x64xf32, #tpu.memory_space<hbm>> -> memref<1x200x64xf32, #tpu.memory_space<hbm>>
      %dma_wait3A_225 = tpu.memref_squeeze %dma_wait3A_224 : memref<1x200x64xf32, #tpu.memory_space<hbm>> -> memref<200x64xf32, #tpu.memory_space<hbm>>
      %dma_wait3A_226 = arith.constant 0 : i32
      %dma_wait3A_227 = arith.constant 0 : i32
      %dma_wait3A_228 = tpu.memref_slice %arg4[%add3A_147, %dma_wait3A_226, %dma_wait3A_227] : memref<4096x200x64xf32, #tpu.memory_space<hbm>> -> memref<1x200x64xf32, #tpu.memory_space<hbm>>
      %dma_wait3A_229 = tpu.memref_squeeze %dma_wait3A_228 : memref<1x200x64xf32, #tpu.memory_space<hbm>> -> memref<200x64xf32, #tpu.memory_space<hbm>>
      tpu.wait_dma2 semaphore(%arg15 : memref<!tpu.dma_semaphore, #tpu.memory_space<semaphore_mem>>) src(%arg7 : memref<200x64xf32, #tpu.memory_space<vmem>>) dst(%dma_wait3A_229 : memref<200x64xf32, #tpu.memory_space<hbm>>)
      %dma_wait3A_230 = arith.constant 0 : i32
      %dma_wait3A_231 = arith.constant 0 : i32
      %dma_wait3A_232 = tpu.memref_slice %arg4[%add3A_176, %dma_wait3A_230, %dma_wait3A_231] : memref<4096x200x64xf32, #tpu.memory_space<hbm>> -> memref<1x200x64xf32, #tpu.memory_space<hbm>>
      %dma_wait3A_233 = tpu.memref_squeeze %dma_wait3A_232 : memref<1x200x64xf32, #tpu.memory_space<hbm>> -> memref<200x64xf32, #tpu.memory_space<hbm>>
      %dma_wait3A_234 = arith.constant 0 : i32
      %dma_wait3A_235 = arith.constant 0 : i32
      %dma_wait3A_236 = tpu.memref_slice %arg4[%add3A_176, %dma_wait3A_234, %dma_wait3A_235] : memref<4096x200x64xf32, #tpu.memory_space<hbm>> -> memref<1x200x64xf32, #tpu.memory_space<hbm>>
      %dma_wait3A_237 = tpu.memref_squeeze %dma_wait3A_236 : memref<1x200x64xf32, #tpu.memory_space<hbm>> -> memref<200x64xf32, #tpu.memory_space<hbm>>
      tpu.wait_dma2 semaphore(%arg16 : memref<!tpu.dma_semaphore, #tpu.memory_space<semaphore_mem>>) src(%arg8 : memref<200x64xf32, #tpu.memory_space<vmem>>) dst(%dma_wait3A_237 : memref<200x64xf32, #tpu.memory_space<hbm>>)
      %dma_wait3A_238 = arith.constant 0 : i32
      %dma_wait3A_239 = arith.constant 0 : i32
      %dma_wait3A_240 = tpu.memref_slice %arg4[%add3A_205, %dma_wait3A_238, %dma_wait3A_239] : memref<4096x200x64xf32, #tpu.memory_space<hbm>> -> memref<1x200x64xf32, #tpu.memory_space<hbm>>
      %dma_wait3A_241 = tpu.memref_squeeze %dma_wait3A_240 : memref<1x200x64xf32, #tpu.memory_space<hbm>> -> memref<200x64xf32, #tpu.memory_space<hbm>>
      %dma_wait3A_242 = arith.constant 0 : i32
      %dma_wait3A_243 = arith.constant 0 : i32
      %dma_wait3A_244 = tpu.memref_slice %arg4[%add3A_205, %dma_wait3A_242, %dma_wait3A_243] : memref<4096x200x64xf32, #tpu.memory_space<hbm>> -> memref<1x200x64xf32, #tpu.memory_space<hbm>>
      %dma_wait3A_245 = tpu.memref_squeeze %dma_wait3A_244 : memref<1x200x64xf32, #tpu.memory_space<hbm>> -> memref<200x64xf32, #tpu.memory_space<hbm>>
      tpu.wait_dma2 semaphore(%arg17 : memref<!tpu.dma_semaphore, #tpu.memory_space<semaphore_mem>>) src(%arg9 : memref<200x64xf32, #tpu.memory_space<vmem>>) dst(%dma_wait3A_245 : memref<200x64xf32, #tpu.memory_space<hbm>>)
    }
    %scan3A_6 = arith.constant 32 : i32
    return
  }
}

module attributes {stable_mosaic.version = 14 : i64} {
  func.func @tx(%arg0: i32, %arg1: i32, %arg2: memref<1x128x12800xf32, #tpu.memory_space<vmem>>, %arg3: memref<200x8x1x8x128xf32, #tpu.memory_space<vmem>>) attributes {dimension_semantics = [#tpu.dimension_semantics<arbitrary>, #tpu.dimension_semantics<arbitrary>], iteration_bounds = array<i64: 32, 1>, scalar_prefetch = 0 : i64, scratch_operands = 0 : i64, tpu.core_type = #tpu.core_type<tc>, window_params = [{transform_indices = @transform_0, window_bounds = array<i64: 1, 128, 12800>}, {transform_indices = @transform_1, window_bounds = array<i64: 200, 8, 1, 8, 128>}]} {
    %get3A = arith.constant 0 : index
    %get3A_0 = arith.constant 0 : index
    %get3A_1 = arith.constant 0 : index
    %get3A_2 = vector.load %arg2[%get3A, %get3A_0, %get3A_1] : memref<1x128x12800xf32, #tpu.memory_space<vmem>>, vector<1x128x12800xf32>
    %get3A_3 = vector.shape_cast %get3A_2 : vector<1x128x12800xf32> to vector<128x12800xf32>
    %transpose3A = tpu.transpose %get3A_3, [1, 0] : vector<128x12800xf32> -> vector<12800x128xf32>
    %reshape3A = vector.shape_cast %transpose3A : vector<12800x128xf32> to vector<200x8x8x128xf32>
    %swap3A = arith.constant 0 : index
    %swap3A_4 = arith.constant 0 : index
    %swap3A_5 = arith.constant 0 : index
    %swap3A_6 = arith.constant 0 : index
    %swap3A_7 = arith.constant 0 : index
    %swap3A_8 = vector.load %arg3[%swap3A, %swap3A_4, %swap3A_5, %swap3A_6, %swap3A_7] : memref<200x8x1x8x128xf32, #tpu.memory_space<vmem>>, vector<200x8x1x8x128xf32>
    %swap3A_9 = vector.shape_cast %swap3A_8 : vector<200x8x1x8x128xf32> to vector<200x8x8x128xf32>
    %swap3A_10 = vector.shape_cast %reshape3A : vector<200x8x8x128xf32> to vector<200x8x1x8x128xf32>
    tpu.vector_store %arg3[%swap3A, %swap3A_4, %swap3A_5, %swap3A_6, %swap3A_7], %swap3A_10 {strides = array<i32>} : memref<200x8x1x8x128xf32, #tpu.memory_space<vmem>>, vector<200x8x1x8x128xf32>,
    return
  }
  func.func @transform_0(%arg0: i32, %arg1: i32) -> (i32, i32, i32) {
    %c0_i32 = arith.constant 0 : i32
    %c0_i32_0 = arith.constant 0 : i32
    return %arg0, %c0_i32, %arg1 : i32, i32, i32
  }
  func.func @transform_1(%arg0: i32, %arg1: i32) -> (i32, i32, i32, i32, i32) {
    %c0_i32 = arith.constant 0 : i32
    %c0_i32_0 = arith.constant 0 : i32
    %c0_i32_1 = arith.constant 0 : i32
    %c0_i32_2 = arith.constant 0 : i32
    return %arg1, %c0_i32, %arg0, %c0_i32_0, %c0_i32_1 : i32, i32, i32, i32, i32
  }
}

</mosaic_0001>

<sc_bundles>
// kernel: kernel.4.cloned.1.call-start
scs
__scs_entry_jumppad:
0x0: {  	(pc) =	sbr.rel $0x88, $3  }
0x1: {  	(tag) =	ssettag $0x0;
	lr =	simm.s32 $0x1  }
0x2: {  	[smem:$0x3F9F] =	sst lr;
	_ =	strace $0xD0000000  }
0x3: {  	_ = 	snop  }
0x4: {  	_ = 	snop  }
0x5: {  	_ = 	snop  }
0x6: {  	_ = 	snop  }
0x7: {  	_ = 	snop  }
__scs_overlays_trampoline_lowered:
0x8: {  	[smem:$0x3FAE] =	sst s0  }
0x9: {  	[smem:$0x3FAF] =	sst s1  }
0xa: {  	[smem:$0x3FB0] =	sst s2  }
0xb: {  	[smem:$0x3FB1] =	sst s3  }
0xc: {  	[smem:$0x3FB2] =	sst s4  }
0xd: {  	[smem:$0x3FB3] =	sst s5  }
0xe: {  	[smem:$0x3FB4] =	sst s6  }
0xf: {  	[smem:$0x3FB5] =	sst s7  }
0x10: {  	[smem:$0x3FB6] =	sst s8  }
0x11: {  	[smem:$0x3FB7] =	sst s9;
	s0 =	simm.s32 @!p0 $0x0  }
0x12: {  	s1 =	sld [smem:$0x3F9D];
	s0 =	simm.s32 @p0 $0x1  }
0x13: {  	[smem:$0x3FB8] =	sst s0;
	s0 =	simm.s32 @!p1 $0x0  }
0x14: {  	s2 =	sld [smem:$0x3F9C];
	s0 =	simm.s32 @p1 $0x1  }
0x15: {  	[smem:$0x3FB9] =	sst s0;
	s0 =	simm.s32 @!p2 $0x0  }
0x16: {  	s3 =	sld [smem:$0x3FDB];
	s0 =	simm.s32 @p2 $0x1  }
0x17: {  	s4 =	simm.s32 $0x1BF5;
	[smem:$0x3FBB] =	sst s0  }
0x18: {  	s0 =	sld [smem:$0x3F9E];
	_ =	swait.ge [sflag:s4], $0x0  }
0x19: {  	s7 =	sld [smem:$0x3F9F]  }
0x1a: {  	s8 =	sadd.s32 $0xFFFFE003, lr  }
0x1b: {  	s9 =	sadd.s32 $0xFFFFFEF7, lr;
	s5 =	simm.s32 $0xFFFFFFFF;
	p2 =	slt.u32 s8, $0xFFFFF086  }
0x1c: {  	p1 =	slt.u32 s9, $0xF7A;
	s5 =	simm.s32 @!p2 $0x0  }
0x1d: {  	s5 =	simm.s32 @p1 $0x1;
	p0 =	seq.s32 s7, s2  }
0x1e: {  	s7 =	smul.u32 @!p0 $0xF7A, s2;
	p2 =	seq.s32 @!p0 s5, $0x0  }
0x1f: {  	s9 =	smul.u32 $0xF7A, s1;
	s8 =	simm.s32 @!p0 $0x1BF5;
	p2 =	por !p2, p0  }
0x20: {  	[sflag:s8] =	ssyncset.s32 @!p0 $0xFFFFF086;
	s6 =	sadd.s32 @!p0 s3, s7;
	s7 =	simm.s32 @!p0 $0x108  }
0x21: {  	s3 =	sadd.s32 s3, s9;
	s6 =	sadd.s32 @!p0 $0x88, s6;
	s7 =	simm.s32 @p2 $0x1082  }
0x22: {  	[simem:s7], [sflag:s8] =	dma.local @!p0 [hbm:s6], $0xF7A  }
0x23: {  	s9 =	sor.u32 $0xD0000000, s2;
	s6 =	simm.s32 $0x108;
	_ =	swait.ge @!p0 [sflag:s8], $0x0  }
0x24: {  	s3 =	sadd.s32 $0x88, s3;
	s6 =	simm.s32 @!p1 $0x1082;
	[sflag:s4] =	ssyncset.s32 $0xFFFFF086  }
0x25: {  	[simem:s6], [sflag:s4] =	dma.local [hbm:s3], $0xF7A  }
0x26: {  	[smem:$0x3F9F] =	sst s1;
	(tag) =	ssettag s2;
	_ =	strace s9  }
0x27: {  	s1 =	sld [smem:$0x3FAF]  }
0x28: {  	s2 =	sld [smem:$0x3FB0]  }
0x29: {  	s4 =	sld [smem:$0x3FB2]  }
0x2a: {  	p0 =	seq.s32 s5, $0x0;
	s5 =	sld [smem:$0x3FB3]  }
0x2b: {  	s6 =	sld [smem:$0x3FB4]  }
0x2c: {  	s7 =	sld [smem:$0x3FB5]  }
0x2d: {  	s3 =	simm.s32 $0x108;
	s8 =	sld [smem:$0x3FB6]  }
0x2e: {  	s3 =	simm.s32 @!p0 $0x1082;
	s9 =	sld [smem:$0x3FB7]  }
0x2f: {  	lr =	sadd.s32 s0, s3;
	s0 =	sld [smem:$0x3FAE]  }
0x30: {  	s3 =	sld [smem:$0x3FB1]  }
0x31: {  	[smem:$0x3FBA] =	sst s10  }
0x32: {  	s10 =	sld [smem:$0x3FB8];
	_ =	sdelay $0x3  }
0x33: {  	p0 =	seq.s32 s10, $0x1;
	s10 =	sld [smem:$0x3FBA];
	_ =	sdelay $0x3  }
0x34: {  	[smem:$0x3FBA] =	sst s10  }
0x35: {  	s10 =	sld [smem:$0x3FB9];
	_ =	sdelay $0x3  }
0x36: {  	p1 =	seq.s32 s10, $0x1;
	s10 =	sld [smem:$0x3FBA];
	_ =	sdelay $0x3  }
0x37: {  	[smem:$0x3FBA] =	sst s10  }
0x38: {  	s10 =	sld [smem:$0x3FBB]  }
0x39: {  	_ = 	snop;
	(pc) =	sbr.ind lr, $3  }
0x3a: {  	_ = 	snop  }
0x3b: {  	_ = 	snop  }
0x3c: {  	p2 =	seq.s32 s10, $0x1;
	s10 =	sld [smem:$0x3FBA]  }
0x3d: {  	_ =	shalt  }
0x3e: {  	_ =	shalt  }
0x3f: {  	_ =	shalt  }
0x40: {  	_ =	shalt  }
0x41: {  	_ =	shalt  }
0x42: {  	_ =	shalt  }
0x43: {  	_ =	shalt  }
0x44: {  	_ =	shalt  }
0x45: {  	_ =	shalt  }
0x46: {  	_ =	shalt  }
0x47: {  	_ =	shalt  }
0x48: {  	_ =	shalt  }
0x49: {  	_ =	shalt  }
0x4a: {  	_ =	shalt  }
0x4b: {  	_ =	shalt  }
0x4c: {  	_ =	shalt  }
0x4d: {  	_ =	shalt  }
0x4e: {  	_ =	shalt  }
0x4f: {  	_ =	shalt  }
0x50: {  	_ =	shalt  }
0x51: {  	_ =	shalt  }
0x52: {  	_ =	shalt  }
0x53: {  	_ =	shalt  }
0x54: {  	_ =	shalt  }
0x55: {  	_ =	shalt  }
0x56: {  	_ =	shalt  }
0x57: {  	_ =	shalt  }
0x58: {  	_ =	shalt  }
0x59: {  	_ =	shalt  }
0x5a: {  	_ =	shalt  }
0x5b: {  	_ =	shalt  }
0x5c: {  	_ =	shalt  }
0x5d: {  	_ =	shalt  }
0x5e: {  	_ =	shalt  }
0x5f: {  	_ =	shalt  }
0x60: {  	_ =	shalt  }
0x61: {  	_ =	shalt  }
0x62: {  	_ =	shalt  }
0x63: {  	_ =	shalt  }
0x64: {  	_ =	shalt  }
0x65: {  	_ =	shalt  }
0x66: {  	_ =	shalt  }
0x67: {  	_ =	shalt  }
0x68: {  	_ =	shalt  }
0x69: {  	_ =	shalt  }
0x6a: {  	_ =	shalt  }
0x6b: {  	_ =	shalt  }
0x6c: {  	_ =	shalt  }
0x6d: {  	_ =	shalt  }
0x6e: {  	_ =	shalt  }
0x6f: {  	_ =	shalt  }
0x70: {  	_ =	shalt  }
0x71: {  	_ =	shalt  }
0x72: {  	_ =	shalt  }
0x73: {  	_ =	shalt  }
0x74: {  	_ =	shalt  }
0x75: {  	_ =	shalt  }
0x76: {  	_ =	shalt  }
0x77: {  	_ =	shalt  }
0x78: {  	_ =	shalt  }
0x79: {  	_ =	shalt  }
0x7a: {  	_ =	shalt  }
0x7b: {  	_ =	shalt  }
0x7c: {  	_ =	shalt  }
0x7d: {  	_ =	shalt  }
0x7e: {  	_ =	shalt  }
0x7f: {  	_ =	shalt  }
0x80: {  	_ =	shalt  }
0x81: {  	_ =	shalt  }
0x82: {  	_ =	shalt  }
0x83: {  	_ =	shalt  }
0x84: {  	_ =	shalt  }
0x85: {  	_ =	shalt  }
0x86: {  	_ =	shalt  }
0x87: {  	_ =	shalt  }
.Lfunc_end0:
.L_simem_size_0:
called_computation_lowered:
.L_overlay_start_0:
0x88: {  	s2 =	sld [smem:$0x3FD9]  }
0x89: {  	s3 =	sld [smem:$0x3FFE];
	_ =	sdelay $0x1  }
0x8a: {  	s1 =	srdreg.scid  }
0x8b: {  	s0 =	sand.u32 $0x1, s1  }
0x8c: {  	s17 =	sshll.u32 s0, $0xA;
	s2 =	sadd.s32 s3, s2  }
0x8d: {  	s2 =	sadd.s32 s2, s17  }
0x8e: {  	[smem:$0x3FC6] =	sst s2  }
0x8f: {  	_ = 	snop  }
0x90: {  	s2 =	sld [smem:$0x3FD0];
	(tm) =	ssettm $0x1  }
0x91: {  	s18 =	sld [smem:$0x3FFB];
	_ =	sdelay $0x3  }
0x92: {  	_ =	strace s18  }
0x93: {  	s3 =	sld [smem:$0x3FFC];
	_ =	sdelay $0x3  }
0x94: {  	_ =	strace s3  }
0x95: {  	s3 =	sld [smem:$0x3FFD];
	_ =	sdelay $0x3  }
0x96: {  	_ =	strace s3  }
0x97: {  	_ =	strace $0x8FFFFFFF  }
0x98: {  	s19 =	sld [smem:$0x3FDB];
	_ =	sdelay $0x1  }
0x99: {  	s4 =	simm.s32 $_scs_section_size  }
0x9a: {  	s5 =	simm.s32 $_size__tile_overlayer_lowered;
	s6 =	simm.s32 $_tile_overlayer_lowered  }
0x9b: {  	s22 =	simm.s32 $0x1BFF;
	s21 =	sshll.u32 s6, $0x1;
	s3 =	sadd.s32 s4, s19  }
0x9c: {  	s7 =	simm.s32 $0x0;
	s20 =	sshll.u32 s5, $0x1;
	s5 =	sadd.s32 s21, s3  }
0x9d: {  	[timem:s7], [sflag:s22] =	dma.local [hbm:s5], s20  }
0x9e: {  	_ =	swait.ge [sflag:s22], s20  }
0x9f: {  	s4 =	ssub.s32 $0x0, s20;
	[sflag:s22] =	ssyncset.done $0x0  }
0xa0: {  	[sflag:s22] =	ssyncadd.s32 s4;
	_ =	sdelay $0x1  }
0xa1: {  	s23 =	simm.s32 $0x1B8B  }
0xa2: {  	_ =	swait.ge [sflag:s23], $0x1  }
0xa3: {  	[sflag:s23] =	ssyncset.done $0x0  }
0xa4: {  	s25 =	simm.s32 $0x1B8E;
	s24 =	sld [smem:$0x3FFE];
	[sflag:s23] =	ssyncadd.s32 $0xFFFFFFFF  }
0xa5: {  	s26 =	simm.s32 $execute0_lowered;
	[smem:$0x3FD2] =	sst s25  }
0xa6: {  	s5 =	sshll.u32 s26, $0x1;
	_ =	strace $0x80000046;
	[dreg:$0x1] =	wrdreg $0xFFFFFFFF  }
0xa7: {  	s28 =	simm.s32 $_size_execute0_lowered;
	s3 =	sadd.s32 s3, s5;
	[dreg:$0x0] =	wrdreg $0x0  }
0xa8: {  	s5 =	sshll.u32 s28, $0x1;
	[dreg:$0x2] =	wrdreg s3  }
0xa9: {  	[dreg:$0x3] =	wrdreg s5  }
0xaa: {  	[dreg:$0x4] =	wrdreg $0xC0  }
0xab: {  	_ =	task [dreg:s7], $0x5FFFF  }
0xac: {  	[dreg:$0x1] =	wrdreg $0xFFFFFFFF  }
0xad: {  	[dreg:$0x0] =	wrdreg $0x60  }
0xae: {  	[dreg:$0x2] =	wrdreg s24  }
0xaf: {  	[dreg:$0x3] =	wrdreg s2  }
0xb0: {  	[dreg:$0x4] =	wrdreg $0x9  }
0xb1: {  	_ =	task.clear_ibuf [dreg:s7], $0x5FFFF;
	_ =	strace $0x90000046  }
0xb2: {  	s29 =	simm.s32 $0x9;
	_ =	strace $0x80000048  }
0xb3: {  	_ =	swait.ge [sflag:s29], $0x1  }
0xb4: {  	[sflag:s29] =	ssyncadd.s32 $0xFFFFFFFF  }
0xb5: {  	_ =	strace $0x90000048  }
0xb6: {  	_ =	sfence  }
0xb7: {  	s30 =	sld [smem:$0x0];
	_ =	sdelay $0x2  }
0xb8: {  	s31 =	sshll.u32 s1, $0xD;
	s1 =	sshrl.u32 s1, $0x2  }
0xb9: {  	s3 =	sand.u32 $0x4000, s31;
	s1 =	sadd.s32 s1, s30  }
0xba: {  	s0 =	sor.u32 s3, s0;
	s1 =	sshll.u32 s1, $0x11  }
0xbb: {  	s0 =	sor.u32 s1, s0  }
0xbc: {  	s0 =	sadd.s32 $0x8F2B, s0  }
0xbd: {  	[sflag:s0] =	ssyncadd.remote.s32 $0x1  }
0xbe: {  	_ =	sfence.sel $0xFFFF  }
0xbf: {  	[dreg:$0x0] =	wrdreg $0xFFFFFFFF;
	(pc) =	sbr.abs _section_cstart, $3  }
0xc0: {  	[dreg:$0x1] =	wrdreg $0xFFFFFFFF  }
0xc1: {  	_ =	task.clear_ibuf [dreg:s7], $0x2FFFF;
	_ =	strace $0x9FFFFFFF  }
0xc2: {  	(tm) =	ssettm $0x7FFFFFFF  }
0xc3: {  	_ =	shalt  }
tec
execute0_lowered:
.L_overlay_start_1:
0x0: {  	(tag) =	ssettag $0x1  }
0x1: {  	s0 =	srdreg.scid  }
0x2: {  	s9 =	stileid.u32;
	s3 =	rddreg [dreg:$0x0]  }
0x3: {  	s8 =	rddreg [dreg:$0x1];
	s11 =	simm.s32 $0x68;
	s28 =	simm.s32 $0x7E00  }
0x4: {  	s12 =	simm.s32 $0x6400;
	s29 =	simm.s32 $0xB000;
	s13 =	simm.s32 $0x60  }
0x5: {  	s30 =	simm.s32 $0xE200;
	s14 =	simm.s32 $0x9600;
	s31 =	simm.s32 $0x11400  }
0x6: {  	s15 =	simm.s32 $0xC800;
	s16 =	simm.s32 $0xFA00;
	s17 =	simm.s32 $0x1  }
0x7: {  	s18 =	simm.s32 $0x2;
	s19 =	simm.s32 $0x3;
	s20 =	simm.s32 $0x4  }
0x8: {  	s21 =	simm.s32 $0x5;
	s22 =	simm.s32 $0x6;
	s4 =	smul.u32 $0x320000, s9  }
0x9: {  	s0 =	sand.u32 $0x1, s0;
	s1 =	sshll.u32 s9, $0x8;
	s25 =	smul.u32 $0x64000, s9  }
0xa: {  	s2 =	sshll.u32 s0, $0x7;
	s5 =	smul.u32 $0x190000, s0;
	s6 =	ssub.s32 $0x2, s0  }
0xb: {  	s0 =	smul.u32 $0x32000, s0;
	s1 =	sor.u32 s2, s1;
	s2 =	simm.s32 $0x0  }
0xc: {  	s23 =	sshrl.u32 s6, $0x1;
	s1 =	smul.u32 $0x19, s1;
	[smem:$0x7FF] =	sst s2  }
0xd: {  	s7 =	sadd.s32 s5, s4;
	_ =	strace $0x80000047;
	[dreg:$0x3] =	wrdreg s28  }
0xe: {  	s6 =	ssub.s32 s6, s23;
	s23 =	simm.s32 $0x7;
	[dreg:$0x4] =	wrdreg s29  }
0xf: {  	s5 =	sor.u32 $0x9600, s7;
	s4 =	smax.u32 s6, $0x1;
	[dreg:$0x5] =	wrdreg s30  }
0x10: {  	s26 =	sor.u32 $0x6400, s7;
	s7 =	sor.u32 $0x3200, s7;
	[dreg:$0x6] =	wrdreg s31  }
0x11: {  	s1 =	sadd.s32 s1, s3;
	s3 =	sadd.s32 $0x19400, s3;
	s24 =	sshrl.u32 s5, $0x3  }
0x12: {  	[dreg:$0x8] =	wrdreg s4;
	s9 =	sshrl.u32 s26, $0x3;
	s10 =	sshrl.u32 s7, $0x3  }
0x13: {  	s1 =	sadd.s32 $0x400, s1;
	s6 =	sadd.s32 s24, s8;
	s7 =	sadd.s32 s9, s8  }
0x14: {  	s24 =	simm.s32 $0x8;
	[dreg:$0x7] =	wrdreg s1;
	s1 =	sadd.s32 s25, s8  }
0x15: {  	s8 =	sadd.s32 s10, s8;
	s25 =	simm.s32 $0x0;
	s9 =	sadd.s32 s0, s1  }
.LBB2_1:
0x16: {  	s0 =	rddreg [dreg:$0x7];
	s4 =	simm.s32 $0x9  }
0x17: {  	[tilespmem:s2], [sflag:$0x9] =	stream.linear.gather [hbm4b:s0+s2], $0x6400, $0x38;
	[tilespmem:$0x12C00] =	vst v63  }
0x18: {  	_ =	swait.ge [sflag:s4], $0x6400  }
0x19: {  	[sflag:s4] =	ssyncset.done $0x0  }
0x1a: {  	s5 =	simm.s32 $0x0;
	[sflag:s4] =	ssyncadd.s32 $0xFFFF9C00  }
0x1b: {  	[tilespmem:s12], [sflag:$0x1] =	stream.indirect.gather [hbm4b:s3+s11], $0x40, s5, s11, $0xb8;
	[tilespmem:$0x12C00] =	vst v63  }
0x1c: {  	s10 =	simm.s32 $0x68;
	s1 =	rddreg [dreg:$0x3]  }
0x1d: {  	[tilespmem:s1], [sflag:$0x1] =	stream.indirect.gather [hbm4b:s3+s13], $0x40, s10, s13, $0xb8;
	[tilespmem:$0x12C00] =	vst v63  }
0x1e: {  	s4 =	simm.s32 $0xC8  }
0x1f: {  	[tilespmem:s14], [sflag:$0x2] =	stream.indirect.gather [hbm4b:s3+s11], $0x40, s4, s11, $0xb8;
	[tilespmem:$0x12C00] =	vst v63  }
0x20: {  	s26 =	rddreg [dreg:$0x4];
	s5 =	simm.s32 $0x130  }
0x21: {  	[tilespmem:s26], [sflag:$0x2] =	stream.indirect.gather [hbm4b:s3+s13], $0x40, s5, s13, $0xb8;
	[tilespmem:$0x12C00] =	vst v63  }
0x22: {  	s10 =	simm.s32 $0x190  }
0x23: {  	[tilespmem:s15], [sflag:$0x3] =	stream.indirect.gather [hbm4b:s3+s11], $0x40, s10, s11, $0xb8;
	[tilespmem:$0x12C00] =	vst v63  }
0x24: {  	s4 =	simm.s32 $0x1F8;
	s26 =	rddreg [dreg:$0x5]  }
0x25: {  	[tilespmem:s26], [sflag:$0x3] =	stream.indirect.gather [hbm4b:s3+s13], $0x40, s4, s13, $0xb8;
	[tilespmem:$0x12C00] =	vst v63  }
0x26: {  	s5 =	simm.s32 $0x258  }
0x27: {  	[tilespmem:s16], [sflag:$0x4] =	stream.indirect.gather [hbm4b:s3+s11], $0x40, s5, s11, $0xb8;
	[tilespmem:$0x12C00] =	vst v63  }
0x28: {  	s10 =	rddreg [dreg:$0x6];
	s26 =	simm.s32 $0x2C0  }
0x29: {  	[tilespmem:s10], [sflag:$0x4] =	stream.indirect.gather [hbm4b:s3+s13], $0x40, s26, s13, $0xb8;
	[tilespmem:$0x12C00] =	vst v63  }
0x2a: {  	_ =	swait.ge [sflag:s17], $0x1A00  }
0x2b: {  	[sflag:s17] =	ssyncset.done $0x0  }
0x2c: {  	[sflag:s17] =	ssyncadd.s32 $0xFFFFE600  }
0x2d: {  	_ =	swait.ge [sflag:s17], $0x1800  }
0x2e: {  	[sflag:s17] =	ssyncset.done $0x0  }
0x2f: {  	[sflag:s17] =	ssyncadd.s32 $0xFFFFE800  }
0x30: {  	[hbm4b:s9+s2] =	stream.linear.scatter [tilespmem:s12], [sflag:$0x5], $0x3200, $0x38;
	[tilespmem:$0x12C00] =	vst v63  }
0x31: {  	_ =	swait.ge [sflag:s18], $0x1A00  }
0x32: {  	[sflag:s18] =	ssyncset.done $0x0  }
0x33: {  	[sflag:s18] =	ssyncadd.s32 $0xFFFFE600  }
0x34: {  	_ =	swait.ge [sflag:s18], $0x1800  }
0x35: {  	[sflag:s18] =	ssyncset.done $0x0  }
0x36: {  	[sflag:s18] =	ssyncadd.s32 $0xFFFFE800  }
0x37: {  	[hbm4b:s8+s2] =	stream.linear.scatter [tilespmem:s14], [sflag:$0x6], $0x3200, $0x38;
	[tilespmem:$0x12C00] =	vst v63  }
0x38: {  	_ =	swait.ge [sflag:s19], $0x1A00  }
0x39: {  	[sflag:s19] =	ssyncset.done $0x0  }
0x3a: {  	[sflag:s19] =	ssyncadd.s32 $0xFFFFE600  }
0x3b: {  	_ =	swait.ge [sflag:s19], $0x1800  }
0x3c: {  	[sflag:s19] =	ssyncset.done $0x0  }
0x3d: {  	[sflag:s19] =	ssyncadd.s32 $0xFFFFE800  }
0x3e: {  	[hbm4b:s7+s2] =	stream.linear.scatter [tilespmem:s15], [sflag:$0x7], $0x3200, $0x38;
	[tilespmem:$0x12C00] =	vst v63  }
0x3f: {  	_ =	swait.ge [sflag:s20], $0x1A00  }
0x40: {  	[sflag:s20] =	ssyncset.done $0x0  }
0x41: {  	[sflag:s20] =	ssyncadd.s32 $0xFFFFE600  }
0x42: {  	_ =	swait.ge [sflag:s20], $0x1800  }
0x43: {  	[sflag:s20] =	ssyncset.done $0x0  }
0x44: {  	[sflag:s20] =	ssyncadd.s32 $0xFFFFE800  }
0x45: {  	[hbm4b:s6+s2] =	stream.linear.scatter [tilespmem:s16], [sflag:$0x8], $0x3200, $0x38;
	[tilespmem:$0x12C00] =	vst v63  }
0x46: {  	_ =	swait.ge [sflag:s21], $0x3200  }
0x47: {  	[sflag:s21] =	ssyncset.done $0x0  }
0x48: {  	[sflag:s21] =	ssyncadd.s32 $0xFFFFCE00  }
0x49: {  	_ =	swait.ge [sflag:s22], $0x3200  }
0x4a: {  	[sflag:s22] =	ssyncset.done $0x0  }
0x4b: {  	[sflag:s22] =	ssyncadd.s32 $0xFFFFCE00  }
0x4c: {  	_ =	swait.ge [sflag:s23], $0x3200  }
0x4d: {  	s31 =	simm.s32 $0xC80;
	[sflag:s23] =	ssyncset.done $0x0  }
0x4e: {  	s30 =	sadd.s32 $0x1900, s9;
	s28 =	sadd.s32 $0x1900, s7;
	[sflag:s23] =	ssyncadd.s32 $0xFFFFCE00  }
0x4f: {  	s29 =	sadd.s32 $0x1900, s8;
	s1 =	simm.s32 $0x1900;
	_ =	swait.ge [sflag:s24], $0x3200  }
0x50: {  	s26 =	sadd.s32 $0x1900, s6;
	s0 =	rddreg [dreg:$0x4];
	[sflag:s24] =	ssyncset.done $0x0  }
.LBB2_2:
0x51: {  	s4 =	sshra.s32 s31, $0x2;
	[sflag:s24] =	ssyncadd.s32 $0xFFFFCE00  }
0x52: {  	[tilespmem:s12], [sflag:$0x1] =	stream.indirect.gather [hbm4b:s3+s11], $0x40, s4, s11, $0xb8;
	[tilespmem:$0x12C00] =	vst v63  }
0x53: {  	s5 =	rddreg [dreg:$0x3];
	s10 =	sadd.s32 $0x68, s4  }
0x54: {  	[tilespmem:s5], [sflag:$0x1] =	stream.indirect.gather [hbm4b:s3+s13], $0x40, s10, s13, $0xb8;
	[tilespmem:$0x12C00] =	vst v63  }
0x55: {  	s10 =	sadd.s32 $0xC8, s4  }
0x56: {  	[tilespmem:s14], [sflag:$0x2] =	stream.indirect.gather [hbm4b:s3+s11], $0x40, s10, s11, $0xb8;
	[tilespmem:$0x12C00] =	vst v63  }
0x57: {  	s10 =	sadd.s32 $0x130, s4  }
0x58: {  	[tilespmem:s0], [sflag:$0x2] =	stream.indirect.gather [hbm4b:s3+s13], $0x40, s10, s13, $0xb8;
	[tilespmem:$0x12C00] =	vst v63  }
0x59: {  	s10 =	sadd.s32 $0x190, s4  }
0x5a: {  	[tilespmem:s15], [sflag:$0x3] =	stream.indirect.gather [hbm4b:s3+s11], $0x40, s10, s11, $0xb8;
	[tilespmem:$0x12C00] =	vst v63  }
0x5b: {  	s5 =	rddreg [dreg:$0x5];
	s10 =	sadd.s32 $0x1F8, s4  }
0x5c: {  	[tilespmem:s5], [sflag:$0x3] =	stream.indirect.gather [hbm4b:s3+s13], $0x40, s10, s13, $0xb8;
	[tilespmem:$0x12C00] =	vst v63  }
0x5d: {  	s10 =	sadd.s32 $0x258, s4  }
0x5e: {  	[tilespmem:s16], [sflag:$0x4] =	stream.indirect.gather [hbm4b:s3+s11], $0x40, s10, s11, $0xb8;
	[tilespmem:$0x12C00] =	vst v63  }
0x5f: {  	s5 =	rddreg [dreg:$0x6];
	s10 =	sadd.s32 $0x2C0, s4  }
0x60: {  	[tilespmem:s5], [sflag:$0x4] =	stream.indirect.gather [hbm4b:s3+s13], $0x40, s10, s13, $0xb8;
	[tilespmem:$0x12C00] =	vst v63  }
0x61: {  	_ =	swait.ge [sflag:s17], $0x1A00  }
0x62: {  	[sflag:s17] =	ssyncset.done $0x0  }
0x63: {  	[sflag:s17] =	ssyncadd.s32 $0xFFFFE600  }
0x64: {  	_ =	swait.ge [sflag:s17], $0x1800  }
0x65: {  	[sflag:s17] =	ssyncset.done $0x0  }
0x66: {  	[sflag:s17] =	ssyncadd.s32 $0xFFFFE800  }
0x67: {  	[hbm4b:s30+s2] =	stream.linear.scatter [tilespmem:s12], [sflag:$0x5], $0x3200, $0x38;
	[tilespmem:$0x12C00] =	vst v63  }
0x68: {  	_ =	swait.ge [sflag:s18], $0x1A00  }
0x69: {  	[sflag:s18] =	ssyncset.done $0x0  }
0x6a: {  	[sflag:s18] =	ssyncadd.s32 $0xFFFFE600  }
0x6b: {  	_ =	swait.ge [sflag:s18], $0x1800  }
0x6c: {  	[sflag:s18] =	ssyncset.done $0x0  }
0x6d: {  	[sflag:s18] =	ssyncadd.s32 $0xFFFFE800  }
0x6e: {  	[hbm4b:s29+s2] =	stream.linear.scatter [tilespmem:s14], [sflag:$0x6], $0x3200, $0x38;
	[tilespmem:$0x12C00] =	vst v63  }
0x6f: {  	_ =	swait.ge [sflag:s19], $0x1A00  }
0x70: {  	[sflag:s19] =	ssyncset.done $0x0  }
0x71: {  	[sflag:s19] =	ssyncadd.s32 $0xFFFFE600  }
0x72: {  	_ =	swait.ge [sflag:s19], $0x1800  }
0x73: {  	[sflag:s19] =	ssyncset.done $0x0  }
0x74: {  	[sflag:s19] =	ssyncadd.s32 $0xFFFFE800  }
0x75: {  	[hbm4b:s28+s2] =	stream.linear.scatter [tilespmem:s15], [sflag:$0x7], $0x3200, $0x38;
	[tilespmem:$0x12C00] =	vst v63  }
0x76: {  	_ =	swait.ge [sflag:s20], $0x1A00  }
0x77: {  	[sflag:s20] =	ssyncset.done $0x0  }
0x78: {  	[sflag:s20] =	ssyncadd.s32 $0xFFFFE600  }
0x79: {  	_ =	swait.ge [sflag:s20], $0x1800  }
0x7a: {  	[sflag:s20] =	ssyncset.done $0x0  }
0x7b: {  	[sflag:s20] =	ssyncadd.s32 $0xFFFFE800  }
0x7c: {  	[hbm4b:s26+s2] =	stream.linear.scatter [tilespmem:s16], [sflag:$0x8], $0x3200, $0x38;
	[tilespmem:$0x12C00] =	vst v63  }
0x7d: {  	_ =	swait.ge [sflag:s21], $0x3200  }
0x7e: {  	[sflag:s21] =	ssyncset.done $0x0  }
0x7f: {  	[sflag:s21] =	ssyncadd.s32 $0xFFFFCE00  }
0x80: {  	_ =	swait.ge [sflag:s22], $0x3200  }
0x81: {  	[sflag:s22] =	ssyncset.done $0x0  }
0x82: {  	p0 =	sne.s32 s1, $0x18380;
	[sflag:s22] =	ssyncadd.s32 $0xFFFFCE00  }
.Ltmp0:
0x83: {  	_ =	swait.ge [sflag:s23], $0x3200;
	(pc) =	sbr.rel @p0 .LBB2_2-.Ltmp0, $4  }
0x84: {  	s31 =	smov.u32 s1;
	[sflag:s23] =	ssyncset.done $0x0  }
0x85: {  	s1 =	sadd.s32 $0xC80, s1;
	s30 =	sadd.s32 $0x1900, s30;
	[sflag:s23] =	ssyncadd.s32 $0xFFFFCE00  }
0x86: {  	s29 =	sadd.s32 $0x1900, s29;
	s28 =	sadd.s32 $0x1900, s28;
	_ =	swait.ge [sflag:s24], $0x3200  }
0x87: {  	s26 =	sadd.s32 $0x1900, s26;
	s0 =	rddreg [dreg:$0x4];
	[sflag:s24] =	ssyncset.done $0x0  }
0x88: {  	s1 =	sshra.s32 s31, $0x2;
	[sflag:s24] =	ssyncadd.s32 $0xFFFFCE00  }
0x89: {  	[tilespmem:s12], [sflag:$0x1] =	stream.indirect.gather [hbm4b:s3+s11], $0x40, s1, s11, $0xb8;
	[tilespmem:$0x12C00] =	vst v63  }
0x8a: {  	s4 =	rddreg [dreg:$0x3];
	s5 =	sadd.s32 $0x68, s1  }
0x8b: {  	[tilespmem:s4], [sflag:$0x1] =	stream.indirect.gather [hbm4b:s3+s13], $0x40, s5, s13, $0xb8;
	[tilespmem:$0x12C00] =	vst v63  }
0x8c: {  	s10 =	sadd.s32 $0xC8, s1  }
0x8d: {  	[tilespmem:s14], [sflag:$0x2] =	stream.indirect.gather [hbm4b:s3+s11], $0x40, s10, s11, $0xb8;
	[tilespmem:$0x12C00] =	vst v63  }
0x8e: {  	s31 =	sadd.s32 $0x130, s1  }
0x8f: {  	[tilespmem:s0], [sflag:$0x2] =	stream.indirect.gather [hbm4b:s3+s13], $0x40, s31, s13, $0xb8;
	[tilespmem:$0x12C00] =	vst v63  }
0x90: {  	s5 =	sadd.s32 $0x190, s1  }
0x91: {  	[tilespmem:s15], [sflag:$0x3] =	stream.indirect.gather [hbm4b:s3+s11], $0x40, s5, s11, $0xb8;
	[tilespmem:$0x12C00] =	vst v63  }
0x92: {  	s10 =	rddreg [dreg:$0x5];
	s31 =	sadd.s32 $0x1F8, s1  }
0x93: {  	[tilespmem:s10], [sflag:$0x3] =	stream.indirect.gather [hbm4b:s3+s13], $0x40, s31, s13, $0xb8;
	[tilespmem:$0x12C00] =	vst v63  }
0x94: {  	s4 =	sadd.s32 $0x258, s1  }
0x95: {  	[tilespmem:s16], [sflag:$0x4] =	stream.indirect.gather [hbm4b:s3+s11], $0x40, s4, s11, $0xb8;
	[tilespmem:$0x12C00] =	vst v63  }
0x96: {  	s5 =	rddreg [dreg:$0x6];
	s10 =	sadd.s32 $0x2C0, s1  }
0x97: {  	[tilespmem:s5], [sflag:$0x4] =	stream.indirect.gather [hbm4b:s3+s13], $0x40, s10, s13, $0xb8;
	[tilespmem:$0x12C00] =	vst v63  }
0x98: {  	_ =	swait.ge [sflag:s17], $0x1A00  }
0x99: {  	[sflag:s17] =	ssyncset.done $0x0  }
0x9a: {  	[sflag:s17] =	ssyncadd.s32 $0xFFFFE600  }
0x9b: {  	_ =	swait.ge [sflag:s17], $0x1800  }
0x9c: {  	[sflag:s17] =	ssyncset.done $0x0  }
0x9d: {  	[sflag:s17] =	ssyncadd.s32 $0xFFFFE800  }
0x9e: {  	[hbm4b:s30+s2] =	stream.linear.scatter [tilespmem:s12], [sflag:$0x5], $0x3200, $0x38;
	[tilespmem:$0x12C00] =	vst v63  }
0x9f: {  	_ =	swait.ge [sflag:s18], $0x1A00  }
0xa0: {  	[sflag:s18] =	ssyncset.done $0x0  }
0xa1: {  	[sflag:s18] =	ssyncadd.s32 $0xFFFFE600  }
0xa2: {  	_ =	swait.ge [sflag:s18], $0x1800  }
0xa3: {  	[sflag:s18] =	ssyncset.done $0x0  }
0xa4: {  	[sflag:s18] =	ssyncadd.s32 $0xFFFFE800  }
0xa5: {  	[hbm4b:s29+s2] =	stream.linear.scatter [tilespmem:s14], [sflag:$0x6], $0x3200, $0x38;
	[tilespmem:$0x12C00] =	vst v63  }
0xa6: {  	_ =	swait.ge [sflag:s19], $0x1A00  }
0xa7: {  	[sflag:s19] =	ssyncset.done $0x0  }
0xa8: {  	[sflag:s19] =	ssyncadd.s32 $0xFFFFE600  }
0xa9: {  	_ =	swait.ge [sflag:s19], $0x1800  }
0xaa: {  	[sflag:s19] =	ssyncset.done $0x0  }
0xab: {  	[sflag:s19] =	ssyncadd.s32 $0xFFFFE800  }
0xac: {  	[hbm4b:s28+s2] =	stream.linear.scatter [tilespmem:s15], [sflag:$0x7], $0x3200, $0x38;
	[tilespmem:$0x12C00] =	vst v63  }
0xad: {  	_ =	swait.ge [sflag:s20], $0x1A00  }
0xae: {  	[sflag:s20] =	ssyncset.done $0x0  }
0xaf: {  	[sflag:s20] =	ssyncadd.s32 $0xFFFFE600  }
0xb0: {  	_ =	swait.ge [sflag:s20], $0x1800  }
0xb1: {  	[sflag:s20] =	ssyncset.done $0x0  }
0xb2: {  	[sflag:s20] =	ssyncadd.s32 $0xFFFFE800  }
0xb3: {  	[hbm4b:s26+s2] =	stream.linear.scatter [tilespmem:s16], [sflag:$0x8], $0x3200, $0x38;
	[tilespmem:$0x12C00] =	vst v63  }
0xb4: {  	_ =	swait.ge [sflag:s21], $0x3200  }
0xb5: {  	[sflag:s21] =	ssyncset.done $0x0  }
0xb6: {  	[sflag:s21] =	ssyncadd.s32 $0xFFFFCE00  }
0xb7: {  	_ =	swait.ge [sflag:s22], $0x3200  }
0xb8: {  	[sflag:s22] =	ssyncset.done $0x0  }
0xb9: {  	[sflag:s22] =	ssyncadd.s32 $0xFFFFCE00  }
0xba: {  	_ =	swait.ge [sflag:s23], $0x3200  }
0xbb: {  	[sflag:s23] =	ssyncset.done $0x0  }
0xbc: {  	[sflag:s23] =	ssyncadd.s32 $0xFFFFCE00  }
0xbd: {  	_ =	swait.ge [sflag:s24], $0x3200  }
0xbe: {  	s25 =	sadd.s32 $0x1, s25;
	s31 =	rddreg [dreg:$0x8]  }
0xbf: {  	p0 =	sne.s32 s25, s31  }
.Ltmp1:
0xc0: {  	_ = 	snop;
	(pc) =	sbr.rel @p0 .LBB2_1-.Ltmp1, $3  }
0xc1: {  	_ =	sdelay $0x1  }
0xc2: {  	[sflag:s24] =	ssyncset.done $0x0  }
0xc3: {  	[sflag:s24] =	ssyncadd.s32 $0xFFFFCE00  }
0xc4: {  	_ =	sfence.sel $0x180000  }
0xc5: {  	[bflag:$0x0] =	sbarrier.arrive $0xFFFF  }
0xc6: {  	_ =	strace $0x90000047  }
0xc7: {  	s0 =	stileid.u32;
	[bflag:$0x2] =	sbarrier.arrive $0xFFFF  }
0xc8: {  	p0 =	sne.s32 s0, $0x0;
	s0 =	rddreg [dreg:$0x2]  }
0xc9: {  	s0 =	sadd.s32 @!p0 $0x100000, s0  }
0xca: {  	[sflag:s0] =	ssyncadd.tile.s32 @!p0 $0x1;
	_ =	shalt  }
.Lfunc_end2:
_tile_overlayer_lowered:
.L_overlay_start_2:
0xcb: {  	(tag) =	ssettag $0x2  }
0xcc: {  	s0 =	rddreg [dreg:$0x0];
	s2 =	stileid.u32  }
0xcd: {  	s1 =	rddreg [dreg:$0x1];
	p0 =	sne.s32 s2, $0x0  }
0xce: {  	s3 =	rddreg [dreg:$0x2];
	[bflag:$0x3] =	sbarrier.arrive $0xFFFF;
	s2 =	simm.s32 @!p0 $0x1C09  }
0xcf: {  	[timem:s3], [sflag:s2] =	dma.local @!p0 [hbm:s0], s1  }
0xd0: {  	s0 =	simm.s32 @!p0 $0x9  }
0xd1: {  	_ =	swait.ge @!p0 [sflag:s0], s1  }
0xd2: {  	s1 =	ssub.s32 @!p0 $0x0, s1;
	[sflag:s0] =	ssyncset.done @!p0 $0x0  }
0xd3: {  	[sflag:s0] =	ssyncadd.s32 @!p0 s1  }
0xd4: {  	[bflag:$0x3] =	sbarrier.arrive $0xFFFF  }
0xd5: {  	_ =	shalt  }

</sc_bundles>
